<compile_context>
chip_gen: v7x
topology: tpu7x:2x2x1
jax: 0.10.2.dev20260603
libtpu: 0.0.44.dev20260713+nightly
codegen_flags: <defaults>
</compile_context>

<pallas_src>
import functools

import jax
import jax.numpy as jnp
from jax import lax
from jax.experimental import pallas as pl
from jax.experimental.pallas import tpu as pltpu
from jax.experimental.pallas import tpu_sc as plsc



def _make_gather(V, D, N):
    info = plsc.get_sparse_core_info()
    NC, NS = info.num_cores, info.num_subcores
    NW = NC * NS
    SB = 128
    per_w = N // NW
    assert N % (NW * SB) == 0
    rows_per_w = per_w // SB
    K = 8
    assert rows_per_w % K == 0 and (per_w // SB) % K == 0
    n_chunks = rows_per_w // K
    CH = K * SB

    mesh = plsc.VectorSubcoreMesh(core_axis_name="c", subcore_axis_name="s")

    @functools.partial(
        pl.kernel,
        mesh=mesh,
        out_type=jax.ShapeDtypeStruct((N, D), jnp.float32),
        scratch_types=[
            pltpu.VMEM((K, SB), jnp.int32),
            pltpu.VMEM((CH, D), jnp.float32),
            pltpu.SemaphoreType.DMA,
        ],
        compiler_params=pltpu.CompilerParams(use_tc_tiling_on_sc=False),
    )
    def gather_k(table_hbm, idx_hbm, out_hbm, idx_v, rows_v, sem):
        wid = lax.axis_index("s") * NC + lax.axis_index("c")

        def body(c, carry):
            row0 = wid * rows_per_w + c * K
            pltpu.sync_copy(idx_hbm.at[pl.ds(row0, K)], idx_v)
            handles = []
            for j in range(K):
                handles.append(
                    pltpu.async_copy(
                        table_hbm.at[idx_v.at[j]],
                        rows_v.at[pl.ds(j * SB, SB)],
                        sem,
                    )
                )
            for h in handles:
                h.wait()
            pltpu.sync_copy(rows_v, out_hbm.at[pl.ds(row0 * SB, CH)])
            return carry

        lax.fori_loop(0, n_chunks, body, 0, unroll=False)

    return gather_k



_RB2 = 8192


def _tf_body(e0_ref, e1_ref, e2_ref, e3_ref, i32_ref, out_ref):
    del i32_ref
    for s, e in enumerate((e0_ref, e1_ref, e2_ref, e3_ref)):
        out_ref[:, 32 * s:32 * (s + 1)] = jnp.swapaxes(e[...], 0, 1)


def _make_transform(V):
    NB = -(-V // (4 * _RB2))
    NBLK = -(-V // _RB2)
    def im(s):
        return lambda j: (0, jnp.minimum(4 * j + s, NBLK - 1))
    return pl.pallas_call(
        _tf_body,
        grid=(NB,),
        in_specs=[
            pl.BlockSpec((32, _RB2), im(0)),
            pl.BlockSpec((32, _RB2), im(1)),
            pl.BlockSpec((32, _RB2), im(2)),
            pl.BlockSpec((32, _RB2), im(3)),
            pl.BlockSpec((32, 32), lambda j: (0, 0)),
        ],
        out_specs=pl.BlockSpec((_RB2, 128), lambda j: (j, 0)),
        out_shape=jax.ShapeDtypeStruct((NB * _RB2, 128), jnp.float32),
    )


_RB2_LOG = _RB2.bit_length() - 1


def _remap(i):
    m4 = 4 * _RB2 - 1
    return (i & ~m4) + ((i & (_RB2 - 1)) << 2) + ((i & m4) >> _RB2_LOG)



_RB = 4096


def _proj_body_T(h_ref, bd_ref, b_ref, out_ref):
    tt = lax.dot_general(
        bd_ref[...], h_ref[...], (((0,), (1,)), ((), ())),
        preferred_element_type=jnp.float32,
    )
    bcol = b_ref[...]
    for s in range(4):
        out_ref[0, :, s * _RB:(s + 1) * _RB] = tt[32 * s:32 * (s + 1), :] + bcol


def _make_proj_T(L, Bb):
    NJ = Bb // (4 * _RB)
    return pl.pallas_call(
        _proj_body_T,
        grid=(L, NJ),
        in_specs=[
            pl.BlockSpec((_RB, 128), lambda l, j: (l * NJ + j, 0)),
            pl.BlockSpec((128, 128), lambda l, j: (0, 0)),
            pl.BlockSpec((32, 1), lambda l, j: (0, 0)),
        ],
        out_specs=pl.BlockSpec((1, 32, 4 * _RB), lambda l, j: (l, 0, j)),
        out_shape=jax.ShapeDtypeStruct((L, 32, Bb), jnp.float32),
    )


def kernel(x, emb, W, b):
    B, L = x.shape
    V, D = emb.shape
    N = B * L
    embt = emb.T
    t2 = _make_transform(V)(embt, embt, embt, embt, jnp.eye(32, dtype=jnp.float32))
    table = t2.reshape(-1, D)
    idxp = _remap(x.T).reshape(L, B // (4 * _RB), 4, _RB)
    idxp = idxp.transpose(0, 1, 3, 2).reshape(N // 128, 128)
    gathered = _make_gather(table.shape[0], D, N)(table, idxp)
    g128 = gathered.reshape(N // 4, 128)
    bd = jnp.kron(jnp.eye(4, dtype=jnp.float32), W.T)
    outp = _make_proj_T(L, B)(g128, bd, b.reshape(32, 1))
    return outp.transpose(2, 0, 1)

# --- scband reference (transcript-rebuilt; emitter-appended) ---
"""Pipeline reference for scband-tiny-encoder-1494648619402 (READ-ONLY COPY).

The authoritative reference and input builder live on the scoring server;
editing this copy changes nothing except your own understanding.
"""

import jax, jax.numpy as jnp
import numpy as np

VOCAB = 1000000
HID = 32
B = 16384
L = 50

def setup_inputs(seed: int = 0) -> dict:
    key = jax.random.key(seed)
    k1, k2, k3, k4 = jax.random.split(key, 4)
    x = jax.random.randint(k1, (B, L), 0, VOCAB, dtype=jnp.int64) if jax.config.jax_enable_x64 else jax.random.randint(k1, (B, L), 0, VOCAB, dtype=jnp.int32)
    emb = jax.random.normal(k2, (VOCAB, HID), dtype=jnp.float32) * 0.02
    W = jax.random.normal(k3, (HID, HID), dtype=jnp.float32) * (1.0 / np.sqrt(HID))
    b = jax.random.normal(k4, (HID,), dtype=jnp.float32) * 0.01
    return {"x": x, "emb": emb, "W": W, "b": b}

def reference(x, emb, W, b):
    # embedding lookup (gather)
    h = jnp.take(emb, x, axis=0)          # [B, L, HID]
    # linear projection: h @ W.T + b  (torch nn.Linear convention)
    out = jnp.einsum('bld,od->blo', h, W) + b
    return out

if __name__ == "__main__":
    import jax
    _d = setup_inputs()
    print(jax.jit(kernel)(*tuple(_d.values())))

</pallas_src>

<mosaic_0001>
#map = affine_map<(d0, d1) -> (0, 0)>
module attributes {stable_mosaic.version = 14 : i64} {
  func.func @gather_k(%arg0: i32, %arg1: i32, %arg2: memref<1015808x32xf32, #tpu.memory_space<hbm>>, %arg3: memref<6400x128xi32, #tpu.memory_space<hbm>>, %arg4: memref<819200x32xf32, #tpu.memory_space<hbm>>, %arg5: memref<8x128xi32, #tpu.memory_space<vmem>>, %arg6: memref<1024x32xf32, #tpu.memory_space<vmem>>, %arg7: memref<!tpu.dma_semaphore, #tpu.memory_space<semaphore_mem>>) attributes {dimension_semantics = [#tpu.dimension_semantics<core_parallel>, #tpu.dimension_semantics<subcore_parallel>], iteration_bounds = array<i64: 2, 16>, scalar_prefetch = 0 : i64, scratch_operands = 3 : i64, tpu.core_type = #tpu.core_type<sc_vector_subcore>, window_params = [{transform_indices = #map}, {transform_indices = #map}, {transform_indices = #map}]} {
    %mul3A = arith.constant 2 : i32
    %mul3A_0 = arith.muli %arg1, %mul3A : i32
    %add3A = arith.addi %mul3A_0, %arg0 : i32
    %scan3A = arith.constant 0 : i32
    %scan3A_1 = arith.constant 0 : i32
    %scan3A_2 = arith.constant 25 : i32
    %scan3A_3 = arith.addi %scan3A_1, %scan3A_2 : i32
    %scan3A_4 = arith.constant 1 : i32
    scf.for %scan3A_6 = %scan3A_1 to %scan3A_3 step %scan3A_4  : i32 {
      %mul3A_7 = arith.constant 200 : i32
      %mul3A_8 = arith.muli %add3A, %mul3A_7 : i32
      %mul3A_9 = arith.constant 8 : i32
      %mul3A_10 = arith.muli %scan3A_6, %mul3A_9 : i32
      %add3A_11 = arith.addi %mul3A_8, %mul3A_10 : i32
      "tpu.region"() ({
        %run_scoped3A = tpu.sem_alloc : memref<!tpu.dma_semaphore, #tpu.memory_space<semaphore_mem>>
        %dma_start3A_172 = arith.constant 0 : i32
        %dma_start3A_173 = tpu.memref_slice %arg3[%add3A_11, %dma_start3A_172] : memref<6400x128xi32, #tpu.memory_space<hbm>> -> memref<8x128xi32, #tpu.memory_space<hbm>>
        %dma_start3A_174 = arith.constant 0 : i32
        %dma_start3A_175 = tpu.memref_slice %arg3[%add3A_11, %dma_start3A_174] : memref<6400x128xi32, #tpu.memory_space<hbm>> -> memref<8x128xi32, #tpu.memory_space<hbm>>
        tpu.enqueue_dma source(%dma_start3A_175 : memref<8x128xi32, #tpu.memory_space<hbm>>) target(%arg5 : memref<8x128xi32, #tpu.memory_space<vmem>>) target_semaphore(%run_scoped3A : memref<!tpu.dma_semaphore, #tpu.memory_space<semaphore_mem>>)
        %dma_wait3A_176 = arith.constant 0 : i32
        %dma_wait3A_177 = tpu.memref_slice %arg3[%add3A_11, %dma_wait3A_176] : memref<6400x128xi32, #tpu.memory_space<hbm>> -> memref<8x128xi32, #tpu.memory_space<hbm>>
        %dma_wait3A_178 = arith.constant 0 : i32
        %dma_wait3A_179 = tpu.memref_slice %arg3[%add3A_11, %dma_wait3A_178] : memref<6400x128xi32, #tpu.memory_space<hbm>> -> memref<8x128xi32, #tpu.memory_space<hbm>>
        tpu.wait_dma2 semaphore(%run_scoped3A : memref<!tpu.dma_semaphore, #tpu.memory_space<semaphore_mem>>) src(%dma_wait3A_179 : memref<8x128xi32, #tpu.memory_space<hbm>>) dst(%arg5 : memref<8x128xi32, #tpu.memory_space<vmem>>)
        tpu.yield
      }) : () -> ()
      %dma_start3A = arith.constant 0 : i32
      %dma_start3A_12 = arith.constant 0 : i32
      %dma_start3A_13 = arith.constant 0 : i32
      %dma_start3A_14 = tpu.memref_slice %arg6[%dma_start3A_12, %dma_start3A_13] : memref<1024x32xf32, #tpu.memory_space<vmem>> -> memref<128x32xf32, #tpu.memory_space<vmem>>
      %dma_start3A_15 = arith.constant 0 : i32
      %dma_start3A_16 = tpu.memref_slice %arg5[%dma_start3A, %dma_start3A_15] : memref<8x128xi32, #tpu.memory_space<vmem>> -> memref<1x128xi32, #tpu.memory_space<vmem>>
      %dma_start3A_17 = tpu.memref_squeeze %dma_start3A_16 : memref<1x128xi32, #tpu.memory_space<vmem>> -> memref<128xi32, #tpu.memory_space<vmem>>
      %dma_start3A_18 = arith.constant 0 : i32
      %dma_start3A_19 = arith.constant 0 : i32
      %dma_start3A_20 = tpu.memref_slice %arg2[%dma_start3A_18, %dma_start3A_19] : memref<1015808x32xf32, #tpu.memory_space<hbm>> -> memref<1015808x32xf32, #tpu.memory_space<hbm>>
      tpu.enqueue_indirect_dma source(%dma_start3A_20 : memref<1015808x32xf32, #tpu.memory_space<hbm>>) target(%dma_start3A_14 : memref<128x32xf32, #tpu.memory_space<vmem>>) offsets(%dma_start3A_17 : memref<128xi32, #tpu.memory_space<vmem>>) semaphore(%arg7 : memref<!tpu.dma_semaphore, #tpu.memory_space<semaphore_mem>>)
      %dma_start3A_21 = arith.constant 1 : i32
      %dma_start3A_22 = arith.constant 128 : i32
      %dma_start3A_23 = arith.constant 0 : i32
      %dma_start3A_24 = tpu.memref_slice %arg6[%dma_start3A_22, %dma_start3A_23] : memref<1024x32xf32, #tpu.memory_space<vmem>> -> memref<128x32xf32, #tpu.memory_space<vmem>>
      %dma_start3A_25 = arith.constant 0 : i32
      %dma_start3A_26 = tpu.memref_slice %arg5[%dma_start3A_21, %dma_start3A_25] : memref<8x128xi32, #tpu.memory_space<vmem>> -> memref<1x128xi32, #tpu.memory_space<vmem>>
      %dma_start3A_27 = tpu.memref_squeeze %dma_start3A_26 : memref<1x128xi32, #tpu.memory_space<vmem>> -> memref<128xi32, #tpu.memory_space<vmem>>
      %dma_start3A_28 = arith.constant 0 : i32
      %dma_start3A_29 = arith.constant 0 : i32
      %dma_start3A_30 = tpu.memref_slice %arg2[%dma_start3A_28, %dma_start3A_29] : memref<1015808x32xf32, #tpu.memory_space<hbm>> -> memref<1015808x32xf32, #tpu.memory_space<hbm>>
      tpu.enqueue_indirect_dma source(%dma_start3A_30 : memref<1015808x32xf32, #tpu.memory_space<hbm>>) target(%dma_start3A_24 : memref<128x32xf32, #tpu.memory_space<vmem>>) offsets(%dma_start3A_27 : memref<128xi32, #tpu.memory_space<vmem>>) semaphore(%arg7 : memref<!tpu.dma_semaphore, #tpu.memory_space<semaphore_mem>>)
      %dma_start3A_31 = arith.constant 2 : i32
      %dma_start3A_32 = arith.constant 256 : i32
      %dma_start3A_33 = arith.constant 0 : i32
      %dma_start3A_34 = tpu.memref_slice %arg6[%dma_start3A_32, %dma_start3A_33] : memref<1024x32xf32, #tpu.memory_space<vmem>> -> memref<128x32xf32, #tpu.memory_space<vmem>>
      %dma_start3A_35 = arith.constant 0 : i32
      %dma_start3A_36 = tpu.memref_slice %arg5[%dma_start3A_31, %dma_start3A_35] : memref<8x128xi32, #tpu.memory_space<vmem>> -> memref<1x128xi32, #tpu.memory_space<vmem>>
      %dma_start3A_37 = tpu.memref_squeeze %dma_start3A_36 : memref<1x128xi32, #tpu.memory_space<vmem>> -> memref<128xi32, #tpu.memory_space<vmem>>
      %dma_start3A_38 = arith.constant 0 : i32
      %dma_start3A_39 = arith.constant 0 : i32
      %dma_start3A_40 = tpu.memref_slice %arg2[%dma_start3A_38, %dma_start3A_39] : memref<1015808x32xf32, #tpu.memory_space<hbm>> -> memref<1015808x32xf32, #tpu.memory_space<hbm>>
      tpu.enqueue_indirect_dma source(%dma_start3A_40 : memref<1015808x32xf32, #tpu.memory_space<hbm>>) target(%dma_start3A_34 : memref<128x32xf32, #tpu.memory_space<vmem>>) offsets(%dma_start3A_37 : memref<128xi32, #tpu.memory_space<vmem>>) semaphore(%arg7 : memref<!tpu.dma_semaphore, #tpu.memory_space<semaphore_mem>>)
      %dma_start3A_41 = arith.constant 3 : i32
      %dma_start3A_42 = arith.constant 384 : i32
      %dma_start3A_43 = arith.constant 0 : i32
      %dma_start3A_44 = tpu.memref_slice %arg6[%dma_start3A_42, %dma_start3A_43] : memref<1024x32xf32, #tpu.memory_space<vmem>> -> memref<128x32xf32, #tpu.memory_space<vmem>>
      %dma_start3A_45 = arith.constant 0 : i32
      %dma_start3A_46 = tpu.memref_slice %arg5[%dma_start3A_41, %dma_start3A_45] : memref<8x128xi32, #tpu.memory_space<vmem>> -> memref<1x128xi32, #tpu.memory_space<vmem>>
      %dma_start3A_47 = tpu.memref_squeeze %dma_start3A_46 : memref<1x128xi32, #tpu.memory_space<vmem>> -> memref<128xi32, #tpu.memory_space<vmem>>
      %dma_start3A_48 = arith.constant 0 : i32
      %dma_start3A_49 = arith.constant 0 : i32
      %dma_start3A_50 = tpu.memref_slice %arg2[%dma_start3A_48, %dma_start3A_49] : memref<1015808x32xf32, #tpu.memory_space<hbm>> -> memref<1015808x32xf32, #tpu.memory_space<hbm>>
      tpu.enqueue_indirect_dma source(%dma_start3A_50 : memref<1015808x32xf32, #tpu.memory_space<hbm>>) target(%dma_start3A_44 : memref<128x32xf32, #tpu.memory_space<vmem>>) offsets(%dma_start3A_47 : memref<128xi32, #tpu.memory_space<vmem>>) semaphore(%arg7 : memref<!tpu.dma_semaphore, #tpu.memory_space<semaphore_mem>>)
      %dma_start3A_51 = arith.constant 4 : i32
      %dma_start3A_52 = arith.constant 512 : i32
      %dma_start3A_53 = arith.constant 0 : i32
      %dma_start3A_54 = tpu.memref_slice %arg6[%dma_start3A_52, %dma_start3A_53] : memref<1024x32xf32, #tpu.memory_space<vmem>> -> memref<128x32xf32, #tpu.memory_space<vmem>>
      %dma_start3A_55 = arith.constant 0 : i32
      %dma_start3A_56 = tpu.memref_slice %arg5[%dma_start3A_51, %dma_start3A_55] : memref<8x128xi32, #tpu.memory_space<vmem>> -> memref<1x128xi32, #tpu.memory_space<vmem>>
      %dma_start3A_57 = tpu.memref_squeeze %dma_start3A_56 : memref<1x128xi32, #tpu.memory_space<vmem>> -> memref<128xi32, #tpu.memory_space<vmem>>
      %dma_start3A_58 = arith.constant 0 : i32
      %dma_start3A_59 = arith.constant 0 : i32
      %dma_start3A_60 = tpu.memref_slice %arg2[%dma_start3A_58, %dma_start3A_59] : memref<1015808x32xf32, #tpu.memory_space<hbm>> -> memref<1015808x32xf32, #tpu.memory_space<hbm>>
      tpu.enqueue_indirect_dma source(%dma_start3A_60 : memref<1015808x32xf32, #tpu.memory_space<hbm>>) target(%dma_start3A_54 : memref<128x32xf32, #tpu.memory_space<vmem>>) offsets(%dma_start3A_57 : memref<128xi32, #tpu.memory_space<vmem>>) semaphore(%arg7 : memref<!tpu.dma_semaphore, #tpu.memory_space<semaphore_mem>>)
      %dma_start3A_61 = arith.constant 5 : i32
      %dma_start3A_62 = arith.constant 640 : i32
      %dma_start3A_63 = arith.constant 0 : i32
      %dma_start3A_64 = tpu.memref_slice %arg6[%dma_start3A_62, %dma_start3A_63] : memref<1024x32xf32, #tpu.memory_space<vmem>> -> memref<128x32xf32, #tpu.memory_space<vmem>>
      %dma_start3A_65 = arith.constant 0 : i32
      %dma_start3A_66 = tpu.memref_slice %arg5[%dma_start3A_61, %dma_start3A_65] : memref<8x128xi32, #tpu.memory_space<vmem>> -> memref<1x128xi32, #tpu.memory_space<vmem>>
      %dma_start3A_67 = tpu.memref_squeeze %dma_start3A_66 : memref<1x128xi32, #tpu.memory_space<vmem>> -> memref<128xi32, #tpu.memory_space<vmem>>
      %dma_start3A_68 = arith.constant 0 : i32
      %dma_start3A_69 = arith.constant 0 : i32
      %dma_start3A_70 = tpu.memref_slice %arg2[%dma_start3A_68, %dma_start3A_69] : memref<1015808x32xf32, #tpu.memory_space<hbm>> -> memref<1015808x32xf32, #tpu.memory_space<hbm>>
      tpu.enqueue_indirect_dma source(%dma_start3A_70 : memref<1015808x32xf32, #tpu.memory_space<hbm>>) target(%dma_start3A_64 : memref<128x32xf32, #tpu.memory_space<vmem>>) offsets(%dma_start3A_67 : memref<128xi32, #tpu.memory_space<vmem>>) semaphore(%arg7 : memref<!tpu.dma_semaphore, #tpu.memory_space<semaphore_mem>>)
      %dma_start3A_71 = arith.constant 6 : i32
      %dma_start3A_72 = arith.constant 768 : i32
      %dma_start3A_73 = arith.constant 0 : i32
      %dma_start3A_74 = tpu.memref_slice %arg6[%dma_start3A_72, %dma_start3A_73] : memref<1024x32xf32, #tpu.memory_space<vmem>> -> memref<128x32xf32, #tpu.memory_space<vmem>>
      %dma_start3A_75 = arith.constant 0 : i32
      %dma_start3A_76 = tpu.memref_slice %arg5[%dma_start3A_71, %dma_start3A_75] : memref<8x128xi32, #tpu.memory_space<vmem>> -> memref<1x128xi32, #tpu.memory_space<vmem>>
      %dma_start3A_77 = tpu.memref_squeeze %dma_start3A_76 : memref<1x128xi32, #tpu.memory_space<vmem>> -> memref<128xi32, #tpu.memory_space<vmem>>
      %dma_start3A_78 = arith.constant 0 : i32
      %dma_start3A_79 = arith.constant 0 : i32
      %dma_start3A_80 = tpu.memref_slice %arg2[%dma_start3A_78, %dma_start3A_79] : memref<1015808x32xf32, #tpu.memory_space<hbm>> -> memref<1015808x32xf32, #tpu.memory_space<hbm>>
      tpu.enqueue_indirect_dma source(%dma_start3A_80 : memref<1015808x32xf32, #tpu.memory_space<hbm>>) target(%dma_start3A_74 : memref<128x32xf32, #tpu.memory_space<vmem>>) offsets(%dma_start3A_77 : memref<128xi32, #tpu.memory_space<vmem>>) semaphore(%arg7 : memref<!tpu.dma_semaphore, #tpu.memory_space<semaphore_mem>>)
      %dma_start3A_81 = arith.constant 7 : i32
      %dma_start3A_82 = arith.constant 896 : i32
      %dma_start3A_83 = arith.constant 0 : i32
      %dma_start3A_84 = tpu.memref_slice %arg6[%dma_start3A_82, %dma_start3A_83] : memref<1024x32xf32, #tpu.memory_space<vmem>> -> memref<128x32xf32, #tpu.memory_space<vmem>>
      %dma_start3A_85 = arith.constant 0 : i32
      %dma_start3A_86 = tpu.memref_slice %arg5[%dma_start3A_81, %dma_start3A_85] : memref<8x128xi32, #tpu.memory_space<vmem>> -> memref<1x128xi32, #tpu.memory_space<vmem>>
      %dma_start3A_87 = tpu.memref_squeeze %dma_start3A_86 : memref<1x128xi32, #tpu.memory_space<vmem>> -> memref<128xi32, #tpu.memory_space<vmem>>
      %dma_start3A_88 = arith.constant 0 : i32
      %dma_start3A_89 = arith.constant 0 : i32
      %dma_start3A_90 = tpu.memref_slice %arg2[%dma_start3A_88, %dma_start3A_89] : memref<1015808x32xf32, #tpu.memory_space<hbm>> -> memref<1015808x32xf32, #tpu.memory_space<hbm>>
      tpu.enqueue_indirect_dma source(%dma_start3A_90 : memref<1015808x32xf32, #tpu.memory_space<hbm>>) target(%dma_start3A_84 : memref<128x32xf32, #tpu.memory_space<vmem>>) offsets(%dma_start3A_87 : memref<128xi32, #tpu.memory_space<vmem>>) semaphore(%arg7 : memref<!tpu.dma_semaphore, #tpu.memory_space<semaphore_mem>>)
      %dma_wait3A = arith.constant 0 : i32
      %dma_wait3A_91 = arith.constant 0 : i32
      %dma_wait3A_92 = arith.constant 0 : i32
      %dma_wait3A_93 = tpu.memref_slice %arg6[%dma_wait3A_91, %dma_wait3A_92] : memref<1024x32xf32, #tpu.memory_space<vmem>> -> memref<128x32xf32, #tpu.memory_space<vmem>>
      %dma_wait3A_94 = arith.constant 0 : i32
      %dma_wait3A_95 = tpu.memref_slice %arg5[%dma_wait3A, %dma_wait3A_94] : memref<8x128xi32, #tpu.memory_space<vmem>> -> memref<1x128xi32, #tpu.memory_space<vmem>>
      %dma_wait3A_96 = tpu.memref_squeeze %dma_wait3A_95 : memref<1x128xi32, #tpu.memory_space<vmem>> -> memref<128xi32, #tpu.memory_space<vmem>>
      %dma_wait3A_97 = arith.constant 0 : i32
      %dma_wait3A_98 = arith.constant 0 : i32
      %dma_wait3A_99 = tpu.memref_slice %arg2[%dma_wait3A_97, %dma_wait3A_98] : memref<1015808x32xf32, #tpu.memory_space<hbm>> -> memref<1015808x32xf32, #tpu.memory_space<hbm>>
      tpu.wait_indirect_dma semaphore(%arg7 : memref<!tpu.dma_semaphore, #tpu.memory_space<semaphore_mem>>) src(%dma_wait3A_99 : memref<1015808x32xf32, #tpu.memory_space<hbm>>) dst(%dma_wait3A_93 : memref<128x32xf32, #tpu.memory_space<vmem>>)
      %dma_wait3A_100 = arith.constant 1 : i32
      %dma_wait3A_101 = arith.constant 128 : i32
      %dma_wait3A_102 = arith.constant 0 : i32
      %dma_wait3A_103 = tpu.memref_slice %arg6[%dma_wait3A_101, %dma_wait3A_102] : memref<1024x32xf32, #tpu.memory_space<vmem>> -> memref<128x32xf32, #tpu.memory_space<vmem>>
      %dma_wait3A_104 = arith.constant 0 : i32
      %dma_wait3A_105 = tpu.memref_slice %arg5[%dma_wait3A_100, %dma_wait3A_104] : memref<8x128xi32, #tpu.memory_space<vmem>> -> memref<1x128xi32, #tpu.memory_space<vmem>>
      %dma_wait3A_106 = tpu.memref_squeeze %dma_wait3A_105 : memref<1x128xi32, #tpu.memory_space<vmem>> -> memref<128xi32, #tpu.memory_space<vmem>>
      %dma_wait3A_107 = arith.constant 0 : i32
      %dma_wait3A_108 = arith.constant 0 : i32
      %dma_wait3A_109 = tpu.memref_slice %arg2[%dma_wait3A_107, %dma_wait3A_108] : memref<1015808x32xf32, #tpu.memory_space<hbm>> -> memref<1015808x32xf32, #tpu.memory_space<hbm>>
      tpu.wait_indirect_dma semaphore(%arg7 : memref<!tpu.dma_semaphore, #tpu.memory_space<semaphore_mem>>) src(%dma_wait3A_109 : memref<1015808x32xf32, #tpu.memory_space<hbm>>) dst(%dma_wait3A_103 : memref<128x32xf32, #tpu.memory_space<vmem>>)
      %dma_wait3A_110 = arith.constant 2 : i32
      %dma_wait3A_111 = arith.constant 256 : i32
      %dma_wait3A_112 = arith.constant 0 : i32
      %dma_wait3A_113 = tpu.memref_slice %arg6[%dma_wait3A_111, %dma_wait3A_112] : memref<1024x32xf32, #tpu.memory_space<vmem>> -> memref<128x32xf32, #tpu.memory_space<vmem>>
      %dma_wait3A_114 = arith.constant 0 : i32
      %dma_wait3A_115 = tpu.memref_slice %arg5[%dma_wait3A_110, %dma_wait3A_114] : memref<8x128xi32, #tpu.memory_space<vmem>> -> memref<1x128xi32, #tpu.memory_space<vmem>>
      %dma_wait3A_116 = tpu.memref_squeeze %dma_wait3A_115 : memref<1x128xi32, #tpu.memory_space<vmem>> -> memref<128xi32, #tpu.memory_space<vmem>>
      %dma_wait3A_117 = arith.constant 0 : i32
      %dma_wait3A_118 = arith.constant 0 : i32
      %dma_wait3A_119 = tpu.memref_slice %arg2[%dma_wait3A_117, %dma_wait3A_118] : memref<1015808x32xf32, #tpu.memory_space<hbm>> -> memref<1015808x32xf32, #tpu.memory_space<hbm>>
      tpu.wait_indirect_dma semaphore(%arg7 : memref<!tpu.dma_semaphore, #tpu.memory_space<semaphore_mem>>) src(%dma_wait3A_119 : memref<1015808x32xf32, #tpu.memory_space<hbm>>) dst(%dma_wait3A_113 : memref<128x32xf32, #tpu.memory_space<vmem>>)
      %dma_wait3A_120 = arith.constant 3 : i32
      %dma_wait3A_121 = arith.constant 384 : i32
      %dma_wait3A_122 = arith.constant 0 : i32
      %dma_wait3A_123 = tpu.memref_slice %arg6[%dma_wait3A_121, %dma_wait3A_122] : memref<1024x32xf32, #tpu.memory_space<vmem>> -> memref<128x32xf32, #tpu.memory_space<vmem>>
      %dma_wait3A_124 = arith.constant 0 : i32
      %dma_wait3A_125 = tpu.memref_slice %arg5[%dma_wait3A_120, %dma_wait3A_124] : memref<8x128xi32, #tpu.memory_space<vmem>> -> memref<1x128xi32, #tpu.memory_space<vmem>>
      %dma_wait3A_126 = tpu.memref_squeeze %dma_wait3A_125 : memref<1x128xi32, #tpu.memory_space<vmem>> -> memref<128xi32, #tpu.memory_space<vmem>>
      %dma_wait3A_127 = arith.constant 0 : i32
      %dma_wait3A_128 = arith.constant 0 : i32
      %dma_wait3A_129 = tpu.memref_slice %arg2[%dma_wait3A_127, %dma_wait3A_128] : memref<1015808x32xf32, #tpu.memory_space<hbm>> -> memref<1015808x32xf32, #tpu.memory_space<hbm>>
      tpu.wait_indirect_dma semaphore(%arg7 : memref<!tpu.dma_semaphore, #tpu.memory_space<semaphore_mem>>) src(%dma_wait3A_129 : memref<1015808x32xf32, #tpu.memory_space<hbm>>) dst(%dma_wait3A_123 : memref<128x32xf32, #tpu.memory_space<vmem>>)
      %dma_wait3A_130 = arith.constant 4 : i32
      %dma_wait3A_131 = arith.constant 512 : i32
      %dma_wait3A_132 = arith.constant 0 : i32
      %dma_wait3A_133 = tpu.memref_slice %arg6[%dma_wait3A_131, %dma_wait3A_132] : memref<1024x32xf32, #tpu.memory_space<vmem>> -> memref<128x32xf32, #tpu.memory_space<vmem>>
      %dma_wait3A_134 = arith.constant 0 : i32
      %dma_wait3A_135 = tpu.memref_slice %arg5[%dma_wait3A_130, %dma_wait3A_134] : memref<8x128xi32, #tpu.memory_space<vmem>> -> memref<1x128xi32, #tpu.memory_space<vmem>>
      %dma_wait3A_136 = tpu.memref_squeeze %dma_wait3A_135 : memref<1x128xi32, #tpu.memory_space<vmem>> -> memref<128xi32, #tpu.memory_space<vmem>>
      %dma_wait3A_137 = arith.constant 0 : i32
      %dma_wait3A_138 = arith.constant 0 : i32
      %dma_wait3A_139 = tpu.memref_slice %arg2[%dma_wait3A_137, %dma_wait3A_138] : memref<1015808x32xf32, #tpu.memory_space<hbm>> -> memref<1015808x32xf32, #tpu.memory_space<hbm>>
      tpu.wait_indirect_dma semaphore(%arg7 : memref<!tpu.dma_semaphore, #tpu.memory_space<semaphore_mem>>) src(%dma_wait3A_139 : memref<1015808x32xf32, #tpu.memory_space<hbm>>) dst(%dma_wait3A_133 : memref<128x32xf32, #tpu.memory_space<vmem>>)
      %dma_wait3A_140 = arith.constant 5 : i32
      %dma_wait3A_141 = arith.constant 640 : i32
      %dma_wait3A_142 = arith.constant 0 : i32
      %dma_wait3A_143 = tpu.memref_slice %arg6[%dma_wait3A_141, %dma_wait3A_142] : memref<1024x32xf32, #tpu.memory_space<vmem>> -> memref<128x32xf32, #tpu.memory_space<vmem>>
      %dma_wait3A_144 = arith.constant 0 : i32
      %dma_wait3A_145 = tpu.memref_slice %arg5[%dma_wait3A_140, %dma_wait3A_144] : memref<8x128xi32, #tpu.memory_space<vmem>> -> memref<1x128xi32, #tpu.memory_space<vmem>>
      %dma_wait3A_146 = tpu.memref_squeeze %dma_wait3A_145 : memref<1x128xi32, #tpu.memory_space<vmem>> -> memref<128xi32, #tpu.memory_space<vmem>>
      %dma_wait3A_147 = arith.constant 0 : i32
      %dma_wait3A_148 = arith.constant 0 : i32
      %dma_wait3A_149 = tpu.memref_slice %arg2[%dma_wait3A_147, %dma_wait3A_148] : memref<1015808x32xf32, #tpu.memory_space<hbm>> -> memref<1015808x32xf32, #tpu.memory_space<hbm>>
      tpu.wait_indirect_dma semaphore(%arg7 : memref<!tpu.dma_semaphore, #tpu.memory_space<semaphore_mem>>) src(%dma_wait3A_149 : memref<1015808x32xf32, #tpu.memory_space<hbm>>) dst(%dma_wait3A_143 : memref<128x32xf32, #tpu.memory_space<vmem>>)
      %dma_wait3A_150 = arith.constant 6 : i32
      %dma_wait3A_151 = arith.constant 768 : i32
      %dma_wait3A_152 = arith.constant 0 : i32
      %dma_wait3A_153 = tpu.memref_slice %arg6[%dma_wait3A_151, %dma_wait3A_152] : memref<1024x32xf32, #tpu.memory_space<vmem>> -> memref<128x32xf32, #tpu.memory_space<vmem>>
      %dma_wait3A_154 = arith.constant 0 : i32
      %dma_wait3A_155 = tpu.memref_slice %arg5[%dma_wait3A_150, %dma_wait3A_154] : memref<8x128xi32, #tpu.memory_space<vmem>> -> memref<1x128xi32, #tpu.memory_space<vmem>>
      %dma_wait3A_156 = tpu.memref_squeeze %dma_wait3A_155 : memref<1x128xi32, #tpu.memory_space<vmem>> -> memref<128xi32, #tpu.memory_space<vmem>>
      %dma_wait3A_157 = arith.constant 0 : i32
      %dma_wait3A_158 = arith.constant 0 : i32
      %dma_wait3A_159 = tpu.memref_slice %arg2[%dma_wait3A_157, %dma_wait3A_158] : memref<1015808x32xf32, #tpu.memory_space<hbm>> -> memref<1015808x32xf32, #tpu.memory_space<hbm>>
      tpu.wait_indirect_dma semaphore(%arg7 : memref<!tpu.dma_semaphore, #tpu.memory_space<semaphore_mem>>) src(%dma_wait3A_159 : memref<1015808x32xf32, #tpu.memory_space<hbm>>) dst(%dma_wait3A_153 : memref<128x32xf32, #tpu.memory_space<vmem>>)
      %dma_wait3A_160 = arith.constant 7 : i32
      %dma_wait3A_161 = arith.constant 896 : i32
      %dma_wait3A_162 = arith.constant 0 : i32
      %dma_wait3A_163 = tpu.memref_slice %arg6[%dma_wait3A_161, %dma_wait3A_162] : memref<1024x32xf32, #tpu.memory_space<vmem>> -> memref<128x32xf32, #tpu.memory_space<vmem>>
      %dma_wait3A_164 = arith.constant 0 : i32
      %dma_wait3A_165 = tpu.memref_slice %arg5[%dma_wait3A_160, %dma_wait3A_164] : memref<8x128xi32, #tpu.memory_space<vmem>> -> memref<1x128xi32, #tpu.memory_space<vmem>>
      %dma_wait3A_166 = tpu.memref_squeeze %dma_wait3A_165 : memref<1x128xi32, #tpu.memory_space<vmem>> -> memref<128xi32, #tpu.memory_space<vmem>>
      %dma_wait3A_167 = arith.constant 0 : i32
      %dma_wait3A_168 = arith.constant 0 : i32
      %dma_wait3A_169 = tpu.memref_slice %arg2[%dma_wait3A_167, %dma_wait3A_168] : memref<1015808x32xf32, #tpu.memory_space<hbm>> -> memref<1015808x32xf32, #tpu.memory_space<hbm>>
      tpu.wait_indirect_dma semaphore(%arg7 : memref<!tpu.dma_semaphore, #tpu.memory_space<semaphore_mem>>) src(%dma_wait3A_169 : memref<1015808x32xf32, #tpu.memory_space<hbm>>) dst(%dma_wait3A_163 : memref<128x32xf32, #tpu.memory_space<vmem>>)
      %mul3A_170 = arith.constant 128 : i32
      %mul3A_171 = arith.muli %add3A_11, %mul3A_170 : i32
      "tpu.region"() ({
        %run_scoped3A = tpu.sem_alloc : memref<!tpu.dma_semaphore, #tpu.memory_space<semaphore_mem>>
        %dma_start3A_172 = arith.constant 0 : i32
        %dma_start3A_173 = tpu.memref_slice %arg4[%mul3A_171, %dma_start3A_172] : memref<819200x32xf32, #tpu.memory_space<hbm>> -> memref<1024x32xf32, #tpu.memory_space<hbm>>
        %dma_start3A_174 = arith.constant 0 : i32
        %dma_start3A_175 = tpu.memref_slice %arg4[%mul3A_171, %dma_start3A_174] : memref<819200x32xf32, #tpu.memory_space<hbm>> -> memref<1024x32xf32, #tpu.memory_space<hbm>>
        tpu.enqueue_dma source(%arg6 : memref<1024x32xf32, #tpu.memory_space<vmem>>) target(%dma_start3A_175 : memref<1024x32xf32, #tpu.memory_space<hbm>>) target_semaphore(%run_scoped3A : memref<!tpu.dma_semaphore, #tpu.memory_space<semaphore_mem>>)
        %dma_wait3A_176 = arith.constant 0 : i32
        %dma_wait3A_177 = tpu.memref_slice %arg4[%mul3A_171, %dma_wait3A_176] : memref<819200x32xf32, #tpu.memory_space<hbm>> -> memref<1024x32xf32, #tpu.memory_space<hbm>>
        %dma_wait3A_178 = arith.constant 0 : i32
        %dma_wait3A_179 = tpu.memref_slice %arg4[%mul3A_171, %dma_wait3A_178] : memref<819200x32xf32, #tpu.memory_space<hbm>> -> memref<1024x32xf32, #tpu.memory_space<hbm>>
        tpu.wait_dma2 semaphore(%run_scoped3A : memref<!tpu.dma_semaphore, #tpu.memory_space<semaphore_mem>>) src(%arg6 : memref<1024x32xf32, #tpu.memory_space<vmem>>) dst(%dma_wait3A_179 : memref<1024x32xf32, #tpu.memory_space<hbm>>)
        tpu.yield
      }) : () -> ()
    }
    %scan3A_5 = arith.constant 25 : i32
    return
  }
}

module attributes {stable_mosaic.version = 14 : i64} {
  func.func @_tf_body(%arg0: i32, %arg1: memref<32x8192xf32, #tpu.memory_space<vmem>>, %arg2: memref<32x8192xf32, #tpu.memory_space<vmem>>, %arg3: memref<32x8192xf32, #tpu.memory_space<vmem>>, %arg4: memref<32x8192xf32, #tpu.memory_space<vmem>>, %arg5: memref<32x32xf32, #tpu.memory_space<vmem>>, %arg6: memref<8192x128xf32, #tpu.memory_space<vmem>>) attributes {dimension_semantics = [#tpu.dimension_semantics<arbitrary>], iteration_bounds = array<i64: 31>, scalar_prefetch = 0 : i64, scratch_operands = 0 : i64, tpu.core_type = #tpu.core_type<tc>, window_params = [{transform_indices = @transform_0, window_bounds = array<i64: 32, 8192>}, {transform_indices = @transform_1, window_bounds = array<i64: 32, 8192>}, {transform_indices = @transform_2, window_bounds = array<i64: 32, 8192>}, {transform_indices = @transform_3, window_bounds = array<i64: 32, 8192>}, {pipeline_mode = #tpu.pipeline_mode<synchronous>, transform_indices = @transform_4, window_bounds = array<i64: 32, 32>}, {transform_indices = @transform_5, window_bounds = array<i64: 8192, 128>}]} {
    %get3A = arith.constant 0 : index
    %get3A_0 = arith.constant 0 : index
    %get3A_1 = vector.load %arg1[%get3A, %get3A_0] : memref<32x8192xf32, #tpu.memory_space<vmem>>, vector<32x8192xf32>
    %transpose3A = tpu.transpose %get3A_1, [1, 0] : vector<32x8192xf32> -> vector<8192x32xf32>
    %swap3A = arith.constant 0 : index
    %swap3A_2 = arith.constant 0 : index
    %swap3A_3 = vector.load %arg6[%swap3A, %swap3A_2] : memref<8192x128xf32, #tpu.memory_space<vmem>>, vector<8192x32xf32>
    tpu.vector_store %arg6[%swap3A, %swap3A_2], %transpose3A {strides = array<i32>} : memref<8192x128xf32, #tpu.memory_space<vmem>>, vector<8192x32xf32>,
    %get3A_4 = arith.constant 0 : index
    %get3A_5 = arith.constant 0 : index
    %get3A_6 = vector.load %arg2[%get3A_4, %get3A_5] : memref<32x8192xf32, #tpu.memory_space<vmem>>, vector<32x8192xf32>
    %transpose3A_7 = tpu.transpose %get3A_6, [1, 0] : vector<32x8192xf32> -> vector<8192x32xf32>
    %swap3A_8 = arith.constant 0 : index
    %swap3A_9 = arith.constant 32 : index
    %swap3A_10 = vector.load %arg6[%swap3A_8, %swap3A_9] : memref<8192x128xf32, #tpu.memory_space<vmem>>, vector<8192x32xf32>
    tpu.vector_store %arg6[%swap3A_8, %swap3A_9], %transpose3A_7 {strides = array<i32>} : memref<8192x128xf32, #tpu.memory_space<vmem>>, vector<8192x32xf32>,
    %get3A_11 = arith.constant 0 : index
    %get3A_12 = arith.constant 0 : index
    %get3A_13 = vector.load %arg3[%get3A_11, %get3A_12] : memref<32x8192xf32, #tpu.memory_space<vmem>>, vector<32x8192xf32>
    %transpose3A_14 = tpu.transpose %get3A_13, [1, 0] : vector<32x8192xf32> -> vector<8192x32xf32>
    %swap3A_15 = arith.constant 0 : index
    %swap3A_16 = arith.constant 64 : index
    %swap3A_17 = vector.load %arg6[%swap3A_15, %swap3A_16] : memref<8192x128xf32, #tpu.memory_space<vmem>>, vector<8192x32xf32>
    tpu.vector_store %arg6[%swap3A_15, %swap3A_16], %transpose3A_14 {strides = array<i32>} : memref<8192x128xf32, #tpu.memory_space<vmem>>, vector<8192x32xf32>,
    %get3A_18 = arith.constant 0 : index
    %get3A_19 = arith.constant 0 : index
    %get3A_20 = vector.load %arg4[%get3A_18, %get3A_19] : memref<32x8192xf32, #tpu.memory_space<vmem>>, vector<32x8192xf32>
    %transpose3A_21 = tpu.transpose %get3A_20, [1, 0] : vector<32x8192xf32> -> vector<8192x32xf32>
    %swap3A_22 = arith.constant 0 : index
    %swap3A_23 = arith.constant 96 : index
    %swap3A_24 = vector.load %arg6[%swap3A_22, %swap3A_23] : memref<8192x128xf32, #tpu.memory_space<vmem>>, vector<8192x32xf32>
    tpu.vector_store %arg6[%swap3A_22, %swap3A_23], %transpose3A_21 {strides = array<i32>} : memref<8192x128xf32, #tpu.memory_space<vmem>>, vector<8192x32xf32>,
    return
  }
  func.func @transform_0(%arg0: i32) -> (i32, i32) {
    %mul3A = arith.constant 4 : i32
    %mul3A_0 = arith.muli %mul3A, %arg0 : i32
    %add3A = arith.constant 0 : i32
    %add3A_1 = arith.addi %mul3A_0, %add3A : i32
    %min3A = arith.constant 122 : i32
    %min3A_2 = arith.minsi %add3A_1, %min3A : i32
    %c0_i32 = arith.constant 0 : i32
    %c0_i32_3 = arith.constant 0 : i32
    return %c0_i32, %min3A_2 : i32, i32
  }
  func.func @transform_1(%arg0: i32) -> (i32, i32) {
    %mul3A = arith.constant 4 : i32
    %mul3A_0 = arith.muli %mul3A, %arg0 : i32
    %add3A = arith.constant 1 : i32
    %add3A_1 = arith.addi %mul3A_0, %add3A : i32
    %min3A = arith.constant 122 : i32
    %min3A_2 = arith.minsi %add3A_1, %min3A : i32
    %c0_i32 = arith.constant 0 : i32
    %c0_i32_3 = arith.constant 0 : i32
    return %c0_i32, %min3A_2 : i32, i32
  }
  func.func @transform_2(%arg0: i32) -> (i32, i32) {
    %mul3A = arith.constant 4 : i32
    %mul3A_0 = arith.muli %mul3A, %arg0 : i32
    %add3A = arith.constant 2 : i32
    %add3A_1 = arith.addi %mul3A_0, %add3A : i32
    %min3A = arith.constant 122 : i32
    %min3A_2 = arith.minsi %add3A_1, %min3A : i32
    %c0_i32 = arith.constant 0 : i32
    %c0_i32_3 = arith.constant 0 : i32
    return %c0_i32, %min3A_2 : i32, i32
  }
  func.func @transform_3(%arg0: i32) -> (i32, i32) {
    %mul3A = arith.constant 4 : i32
    %mul3A_0 = arith.muli %mul3A, %arg0 : i32
    %add3A = arith.constant 3 : i32
    %add3A_1 = arith.addi %mul3A_0, %add3A : i32
    %min3A = arith.constant 122 : i32
    %min3A_2 = arith.minsi %add3A_1, %min3A : i32
    %c0_i32 = arith.constant 0 : i32
    %c0_i32_3 = arith.constant 0 : i32
    return %c0_i32, %min3A_2 : i32, i32
  }
  func.func @transform_4(%arg0: i32) -> (i32, i32) {
    %c0_i32 = arith.constant 0 : i32
    %c0_i32_0 = arith.constant 0 : i32
    %c0_i32_1 = arith.constant 0 : i32
    return %c0_i32, %c0_i32_0 : i32, i32
  }
  func.func @transform_5(%arg0: i32) -> (i32, i32) {
    %c0_i32 = arith.constant 0 : i32
    %c0_i32_0 = arith.constant 0 : i32
    return %arg0, %c0_i32 : i32, i32
  }
}

module attributes {stable_mosaic.version = 14 : i64} {
  func.func @_proj_body_T(%arg0: i32, %arg1: i32, %arg2: memref<4096x128xf32, #tpu.memory_space<vmem>>, %arg3: memref<128x128xf32, #tpu.memory_space<vmem>>, %arg4: memref<32x1xf32, #tpu.memory_space<vmem>>, %arg5: memref<1x32x16384xf32, #tpu.memory_space<vmem>>) attributes {dimension_semantics = [#tpu.dimension_semantics<arbitrary>, #tpu.dimension_semantics<arbitrary>], iteration_bounds = array<i64: 50, 1>, scalar_prefetch = 0 : i64, scratch_operands = 0 : i64, tpu.core_type = #tpu.core_type<tc>, window_params = [{transform_indices = @transform_0, window_bounds = array<i64: 4096, 128>}, {pipeline_mode = #tpu.pipeline_mode<synchronous>, transform_indices = @transform_1, window_bounds = array<i64: 128, 128>}, {pipeline_mode = #tpu.pipeline_mode<synchronous>, transform_indices = @transform_2, window_bounds = array<i64: 32, 1>}, {transform_indices = @transform_3, window_bounds = array<i64: 1, 32, 16384>}]} {
    %get3A = arith.constant 0 : index
    %get3A_0 = arith.constant 0 : index
    %get3A_1 = vector.load %arg3[%get3A, %get3A_0] : memref<128x128xf32, #tpu.memory_space<vmem>>, vector<128x128xf32>
    %get3A_2 = arith.constant 0 : index
    %get3A_3 = arith.constant 0 : index
    %get3A_4 = vector.load %arg2[%get3A_2, %get3A_3] : memref<4096x128xf32, #tpu.memory_space<vmem>>, vector<4096x128xf32>
    %dot_general3A = arith.constant dense<0.000000e+00> : vector<128x4096xf32>
    %dot_general3A_5 = tpu.matmul %get3A_1, %get3A_4, %dot_general3A {dimension_numbers = #tpu.dot_dimension_numbers<[0], [1], [1], [0], [0, 1, 1, 0], [], []>, transpose_lhs_hint = false} : vector<128x128xf32>, vector<4096x128xf32>, vector<128x4096xf32> -> vector<128x4096xf32>
    %get3A_6 = arith.constant 0 : index
    %get3A_7 = arith.constant 0 : index
    %get3A_8 = vector.load %arg4[%get3A_6, %get3A_7] : memref<32x1xf32, #tpu.memory_space<vmem>>, vector<32x1xf32>
    %slice3A = vector.extract_strided_slice %dot_general3A_5 {offsets = [0, 0], sizes = [32, 4096], strides = [1, 1]} : vector<128x4096xf32> to vector<32x4096xf32>
    %add3A = vector.broadcast %get3A_8 : vector<32x1xf32> to vector<32x4096xf32>
    %add3A_9 = arith.addf %slice3A, %add3A : vector<32x4096xf32>
    %swap3A = arith.constant 0 : index
    %swap3A_10 = arith.constant 0 : index
    %swap3A_11 = arith.constant 0 : index
    %swap3A_12 = vector.load %arg5[%swap3A, %swap3A_10, %swap3A_11] : memref<1x32x16384xf32, #tpu.memory_space<vmem>>, vector<1x32x4096xf32>
    %swap3A_13 = vector.shape_cast %swap3A_12 : vector<1x32x4096xf32> to vector<32x4096xf32>
    %swap3A_14 = vector.shape_cast %add3A_9 : vector<32x4096xf32> to vector<1x32x4096xf32>
    tpu.vector_store %arg5[%swap3A, %swap3A_10, %swap3A_11], %swap3A_14 {strides = array<i32>} : memref<1x32x16384xf32, #tpu.memory_space<vmem>>, vector<1x32x4096xf32>,
    %slice3A_15 = vector.extract_strided_slice %dot_general3A_5 {offsets = [32, 0], sizes = [32, 4096], strides = [1, 1]} : vector<128x4096xf32> to vector<32x4096xf32>
    %add3A_16 = vector.broadcast %get3A_8 : vector<32x1xf32> to vector<32x4096xf32>
    %add3A_17 = arith.addf %slice3A_15, %add3A_16 : vector<32x4096xf32>
    %swap3A_18 = arith.constant 0 : index
    %swap3A_19 = arith.constant 0 : index
    %swap3A_20 = arith.constant 4096 : index
    %swap3A_21 = vector.load %arg5[%swap3A_18, %swap3A_19, %swap3A_20] : memref<1x32x16384xf32, #tpu.memory_space<vmem>>, vector<1x32x4096xf32>
    %swap3A_22 = vector.shape_cast %swap3A_21 : vector<1x32x4096xf32> to vector<32x4096xf32>
    %swap3A_23 = vector.shape_cast %add3A_17 : vector<32x4096xf32> to vector<1x32x4096xf32>
    tpu.vector_store %arg5[%swap3A_18, %swap3A_19, %swap3A_20], %swap3A_23 {strides = array<i32>} : memref<1x32x16384xf32, #tpu.memory_space<vmem>>, vector<1x32x4096xf32>,
    %slice3A_24 = vector.extract_strided_slice %dot_general3A_5 {offsets = [64, 0], sizes = [32, 4096], strides = [1, 1]} : vector<128x4096xf32> to vector<32x4096xf32>
    %add3A_25 = vector.broadcast %get3A_8 : vector<32x1xf32> to vector<32x4096xf32>
    %add3A_26 = arith.addf %slice3A_24, %add3A_25 : vector<32x4096xf32>
    %swap3A_27 = arith.constant 0 : index
    %swap3A_28 = arith.constant 0 : index
    %swap3A_29 = arith.constant 8192 : index
    %swap3A_30 = vector.load %arg5[%swap3A_27, %swap3A_28, %swap3A_29] : memref<1x32x16384xf32, #tpu.memory_space<vmem>>, vector<1x32x4096xf32>
    %swap3A_31 = vector.shape_cast %swap3A_30 : vector<1x32x4096xf32> to vector<32x4096xf32>
    %swap3A_32 = vector.shape_cast %add3A_26 : vector<32x4096xf32> to vector<1x32x4096xf32>
    tpu.vector_store %arg5[%swap3A_27, %swap3A_28, %swap3A_29], %swap3A_32 {strides = array<i32>} : memref<1x32x16384xf32, #tpu.memory_space<vmem>>, vector<1x32x4096xf32>,
    %slice3A_33 = vector.extract_strided_slice %dot_general3A_5 {offsets = [96, 0], sizes = [32, 4096], strides = [1, 1]} : vector<128x4096xf32> to vector<32x4096xf32>
    %add3A_34 = vector.broadcast %get3A_8 : vector<32x1xf32> to vector<32x4096xf32>
    %add3A_35 = arith.addf %slice3A_33, %add3A_34 : vector<32x4096xf32>
    %swap3A_36 = arith.constant 0 : index
    %swap3A_37 = arith.constant 0 : index
    %swap3A_38 = arith.constant 12288 : index
    %swap3A_39 = vector.load %arg5[%swap3A_36, %swap3A_37, %swap3A_38] : memref<1x32x16384xf32, #tpu.memory_space<vmem>>, vector<1x32x4096xf32>
    %swap3A_40 = vector.shape_cast %swap3A_39 : vector<1x32x4096xf32> to vector<32x4096xf32>
    %swap3A_41 = vector.shape_cast %add3A_35 : vector<32x4096xf32> to vector<1x32x4096xf32>
    tpu.vector_store %arg5[%swap3A_36, %swap3A_37, %swap3A_38], %swap3A_41 {strides = array<i32>} : memref<1x32x16384xf32, #tpu.memory_space<vmem>>, vector<1x32x4096xf32>,
    return
  }
  func.func @transform_0(%arg0: i32, %arg1: i32) -> (i32, i32) {
    %mul3A = arith.constant 1 : i32
    %mul3A_0 = arith.muli %arg0, %mul3A : i32
    %add3A = arith.addi %mul3A_0, %arg1 : i32
    %c0_i32 = arith.constant 0 : i32
    %c0_i32_1 = arith.constant 0 : i32
    return %add3A, %c0_i32 : i32, i32
  }
  func.func @transform_1(%arg0: i32, %arg1: i32) -> (i32, i32) {
    %c0_i32 = arith.constant 0 : i32
    %c0_i32_0 = arith.constant 0 : i32
    %c0_i32_1 = arith.constant 0 : i32
    return %c0_i32, %c0_i32_0 : i32, i32
  }
  func.func @transform_2(%arg0: i32, %arg1: i32) -> (i32, i32) {
    %c0_i32 = arith.constant 0 : i32
    %c0_i32_0 = arith.constant 0 : i32
    %c0_i32_1 = arith.constant 0 : i32
    return %c0_i32, %c0_i32_0 : i32, i32
  }
  func.func @transform_3(%arg0: i32, %arg1: i32) -> (i32, i32, i32) {
    %c0_i32 = arith.constant 0 : i32
    %c0_i32_0 = arith.constant 0 : i32
    return %arg0, %c0_i32, %arg1 : i32, i32, i32
  }
}

</mosaic_0001>

<sc_bundles>
// kernel: kernel.5.cloned.1.call-start
scs
__scs_entry_jumppad:
0x0: {  	(pc) =	sbr.rel $0x88, $3  }
0x1: {  	(tag) =	ssettag $0x0;
	lr =	simm.s32 $0x1  }
0x2: {  	[smem:$0x3F9D] =	sst lr;
	_ =	strace $0xD0000000  }
0x3: {  	_ = 	snop  }
0x4: {  	_ = 	snop  }
0x5: {  	_ = 	snop  }
0x6: {  	_ = 	snop  }
0x7: {  	_ = 	snop  }
__scs_overlays_trampoline_lowered:
0x8: {  	[smem:$0x3FAC] =	sst s0  }
0x9: {  	[smem:$0x3FAD] =	sst s1  }
0xa: {  	[smem:$0x3FAE] =	sst s2  }
0xb: {  	[smem:$0x3FAF] =	sst s3  }
0xc: {  	[smem:$0x3FB0] =	sst s4  }
0xd: {  	[smem:$0x3FB1] =	sst s5  }
0xe: {  	[smem:$0x3FB2] =	sst s6  }
0xf: {  	[smem:$0x3FB3] =	sst s7  }
0x10: {  	[smem:$0x3FB4] =	sst s8  }
0x11: {  	[smem:$0x3FB5] =	sst s9;
	s0 =	simm.s32 @!p0 $0x0  }
0x12: {  	s1 =	sld [smem:$0x3F9B];
	s0 =	simm.s32 @p0 $0x1  }
0x13: {  	[smem:$0x3FB6] =	sst s0;
	s0 =	simm.s32 @!p1 $0x0  }
0x14: {  	s2 =	sld [smem:$0x3F9A];
	s0 =	simm.s32 @p1 $0x1  }
0x15: {  	[smem:$0x3FB7] =	sst s0;
	s0 =	simm.s32 @!p2 $0x0  }
0x16: {  	s3 =	sld [smem:$0x3FDB];
	s0 =	simm.s32 @p2 $0x1  }
0x17: {  	s4 =	simm.s32 $0x1BF5;
	[smem:$0x3FB9] =	sst s0  }
0x18: {  	s0 =	sld [smem:$0x3F9C];
	_ =	swait.ge [sflag:s4], $0x0  }
0x19: {  	s7 =	sld [smem:$0x3F9D]  }
0x1a: {  	s8 =	sadd.s32 $0xFFFFE003, lr  }
0x1b: {  	s9 =	sadd.s32 $0xFFFFFEF7, lr;
	s5 =	simm.s32 $0xFFFFFFFF;
	p2 =	slt.u32 s8, $0xFFFFF086  }
0x1c: {  	p1 =	slt.u32 s9, $0xF7A;
	s5 =	simm.s32 @!p2 $0x0  }
0x1d: {  	s5 =	simm.s32 @p1 $0x1;
	p0 =	seq.s32 s7, s2  }
0x1e: {  	s7 =	smul.u32 @!p0 $0xF7A, s2;
	p2 =	seq.s32 @!p0 s5, $0x0  }
0x1f: {  	s9 =	smul.u32 $0xF7A, s1;
	s8 =	simm.s32 @!p0 $0x1BF5;
	p2 =	por !p2, p0  }
0x20: {  	[sflag:s8] =	ssyncset.s32 @!p0 $0xFFFFF086;
	s6 =	sadd.s32 @!p0 s3, s7;
	s7 =	simm.s32 @!p0 $0x108  }
0x21: {  	s3 =	sadd.s32 s3, s9;
	s6 =	sadd.s32 @!p0 $0x88, s6;
	s7 =	simm.s32 @p2 $0x1082  }
0x22: {  	[simem:s7], [sflag:s8] =	dma.local @!p0 [hbm:s6], $0xF7A  }
0x23: {  	s9 =	sor.u32 $0xD0000000, s2;
	s6 =	simm.s32 $0x108;
	_ =	swait.ge @!p0 [sflag:s8], $0x0  }
0x24: {  	s3 =	sadd.s32 $0x88, s3;
	s6 =	simm.s32 @!p1 $0x1082;
	[sflag:s4] =	ssyncset.s32 $0xFFFFF086  }
0x25: {  	[simem:s6], [sflag:s4] =	dma.local [hbm:s3], $0xF7A  }
0x26: {  	[smem:$0x3F9D] =	sst s1;
	(tag) =	ssettag s2;
	_ =	strace s9  }
0x27: {  	s1 =	sld [smem:$0x3FAD]  }
0x28: {  	s2 =	sld [smem:$0x3FAE]  }
0x29: {  	s4 =	sld [smem:$0x3FB0]  }
0x2a: {  	p0 =	seq.s32 s5, $0x0;
	s5 =	sld [smem:$0x3FB1]  }
0x2b: {  	s6 =	sld [smem:$0x3FB2]  }
0x2c: {  	s7 =	sld [smem:$0x3FB3]  }
0x2d: {  	s3 =	simm.s32 $0x108;
	s8 =	sld [smem:$0x3FB4]  }
0x2e: {  	s3 =	simm.s32 @!p0 $0x1082;
	s9 =	sld [smem:$0x3FB5]  }
0x2f: {  	lr =	sadd.s32 s0, s3;
	s0 =	sld [smem:$0x3FAC]  }
0x30: {  	s3 =	sld [smem:$0x3FAF]  }
0x31: {  	[smem:$0x3FB8] =	sst s10  }
0x32: {  	s10 =	sld [smem:$0x3FB6];
	_ =	sdelay $0x3  }
0x33: {  	p0 =	seq.s32 s10, $0x1;
	s10 =	sld [smem:$0x3FB8];
	_ =	sdelay $0x3  }
0x34: {  	[smem:$0x3FB8] =	sst s10  }
0x35: {  	s10 =	sld [smem:$0x3FB7];
	_ =	sdelay $0x3  }
0x36: {  	p1 =	seq.s32 s10, $0x1;
	s10 =	sld [smem:$0x3FB8];
	_ =	sdelay $0x3  }
0x37: {  	[smem:$0x3FB8] =	sst s10  }
0x38: {  	s10 =	sld [smem:$0x3FB9]  }
0x39: {  	_ = 	snop;
	(pc) =	sbr.ind lr, $3  }
0x3a: {  	_ = 	snop  }
0x3b: {  	_ = 	snop  }
0x3c: {  	p2 =	seq.s32 s10, $0x1;
	s10 =	sld [smem:$0x3FB8]  }
0x3d: {  	_ =	shalt  }
0x3e: {  	_ =	shalt  }
0x3f: {  	_ =	shalt  }
0x40: {  	_ =	shalt  }
0x41: {  	_ =	shalt  }
0x42: {  	_ =	shalt  }
0x43: {  	_ =	shalt  }
0x44: {  	_ =	shalt  }
0x45: {  	_ =	shalt  }
0x46: {  	_ =	shalt  }
0x47: {  	_ =	shalt  }
0x48: {  	_ =	shalt  }
0x49: {  	_ =	shalt  }
0x4a: {  	_ =	shalt  }
0x4b: {  	_ =	shalt  }
0x4c: {  	_ =	shalt  }
0x4d: {  	_ =	shalt  }
0x4e: {  	_ =	shalt  }
0x4f: {  	_ =	shalt  }
0x50: {  	_ =	shalt  }
0x51: {  	_ =	shalt  }
0x52: {  	_ =	shalt  }
0x53: {  	_ =	shalt  }
0x54: {  	_ =	shalt  }
0x55: {  	_ =	shalt  }
0x56: {  	_ =	shalt  }
0x57: {  	_ =	shalt  }
0x58: {  	_ =	shalt  }
0x59: {  	_ =	shalt  }
0x5a: {  	_ =	shalt  }
0x5b: {  	_ =	shalt  }
0x5c: {  	_ =	shalt  }
0x5d: {  	_ =	shalt  }
0x5e: {  	_ =	shalt  }
0x5f: {  	_ =	shalt  }
0x60: {  	_ =	shalt  }
0x61: {  	_ =	shalt  }
0x62: {  	_ =	shalt  }
0x63: {  	_ =	shalt  }
0x64: {  	_ =	shalt  }
0x65: {  	_ =	shalt  }
0x66: {  	_ =	shalt  }
0x67: {  	_ =	shalt  }
0x68: {  	_ =	shalt  }
0x69: {  	_ =	shalt  }
0x6a: {  	_ =	shalt  }
0x6b: {  	_ =	shalt  }
0x6c: {  	_ =	shalt  }
0x6d: {  	_ =	shalt  }
0x6e: {  	_ =	shalt  }
0x6f: {  	_ =	shalt  }
0x70: {  	_ =	shalt  }
0x71: {  	_ =	shalt  }
0x72: {  	_ =	shalt  }
0x73: {  	_ =	shalt  }
0x74: {  	_ =	shalt  }
0x75: {  	_ =	shalt  }
0x76: {  	_ =	shalt  }
0x77: {  	_ =	shalt  }
0x78: {  	_ =	shalt  }
0x79: {  	_ =	shalt  }
0x7a: {  	_ =	shalt  }
0x7b: {  	_ =	shalt  }
0x7c: {  	_ =	shalt  }
0x7d: {  	_ =	shalt  }
0x7e: {  	_ =	shalt  }
0x7f: {  	_ =	shalt  }
0x80: {  	_ =	shalt  }
0x81: {  	_ =	shalt  }
0x82: {  	_ =	shalt  }
0x83: {  	_ =	shalt  }
0x84: {  	_ =	shalt  }
0x85: {  	_ =	shalt  }
0x86: {  	_ =	shalt  }
0x87: {  	_ =	shalt  }
.Lfunc_end0:
.L_simem_size_0:
called_computation_lowered:
.L_overlay_start_0:
0x88: {  	s2 =	sld [smem:$0x3FD9]  }
0x89: {  	s3 =	sld [smem:$0x3FFE];
	_ =	sdelay $0x1  }
0x8a: {  	s1 =	srdreg.scid  }
0x8b: {  	s0 =	sand.u32 $0x1, s1  }
0x8c: {  	s16 =	sshll.u32 s0, $0xA;
	s2 =	sadd.s32 s3, s2  }
0x8d: {  	s2 =	sadd.s32 s2, s16  }
0x8e: {  	[smem:$0x3FC4] =	sst s2  }
0x8f: {  	_ = 	snop  }
0x90: {  	(tm) =	ssettm $0x1  }
0x91: {  	s17 =	sld [smem:$0x3FFB];
	_ =	sdelay $0x3  }
0x92: {  	_ =	strace s17  }
0x93: {  	s2 =	sld [smem:$0x3FFC];
	_ =	sdelay $0x3  }
0x94: {  	_ =	strace s2  }
0x95: {  	s2 =	sld [smem:$0x3FFD];
	_ =	sdelay $0x3  }
0x96: {  	_ =	strace s2  }
0x97: {  	_ =	strace $0x8FFFFFFF  }
0x98: {  	s18 =	sld [smem:$0x3FDB];
	_ =	sdelay $0x1  }
0x99: {  	s19 =	simm.s32 $_scs_section_size  }
0x9a: {  	s4 =	simm.s32 $_size__tile_overlayer_lowered;
	s5 =	simm.s32 $_tile_overlayer_lowered  }
0x9b: {  	s22 =	simm.s32 $0x1BFF;
	s21 =	sshll.u32 s5, $0x1;
	s2 =	sadd.s32 s19, s18  }
0x9c: {  	s6 =	simm.s32 $0x0;
	s20 =	sshll.u32 s4, $0x1;
	s4 =	sadd.s32 s21, s2  }
0x9d: {  	[timem:s6], [sflag:s22] =	dma.local [hbm:s4], s20  }
0x9e: {  	_ =	swait.ge [sflag:s22], s20  }
0x9f: {  	s3 =	ssub.s32 $0x0, s20;
	[sflag:s22] =	ssyncset.done $0x0  }
0xa0: {  	[sflag:s22] =	ssyncadd.s32 s3;
	_ =	sdelay $0x1  }
0xa1: {  	s23 =	simm.s32 $0x1B8B  }
0xa2: {  	_ =	swait.ge [sflag:s23], $0x1  }
0xa3: {  	[sflag:s23] =	ssyncset.done $0x0  }
0xa4: {  	s25 =	simm.s32 $0x1B8E;
	s24 =	sld [smem:$0x3FFE];
	[sflag:s23] =	ssyncadd.s32 $0xFFFFFFFF  }
0xa5: {  	s26 =	simm.s32 $execute0_lowered;
	[smem:$0x3FD2] =	sst s25  }
0xa6: {  	s4 =	sshll.u32 s26, $0x1;
	_ =	strace $0x80000046;
	[dreg:$0x1] =	wrdreg $0xFFFFFFFF  }
0xa7: {  	s28 =	simm.s32 $_size_execute0_lowered;
	s2 =	sadd.s32 s2, s4;
	[dreg:$0x0] =	wrdreg $0x0  }
0xa8: {  	s4 =	sshll.u32 s28, $0x1;
	[dreg:$0x2] =	wrdreg s2  }
0xa9: {  	[dreg:$0x3] =	wrdreg s4  }
0xaa: {  	[dreg:$0x4] =	wrdreg $0xC0  }
0xab: {  	_ =	task [dreg:s6], $0x5FFFF  }
0xac: {  	[dreg:$0x1] =	wrdreg $0xFFFFFFFF  }
0xad: {  	[dreg:$0x0] =	wrdreg $0x60  }
0xae: {  	[dreg:$0x2] =	wrdreg s24  }
0xaf: {  	[dreg:$0x3] =	wrdreg $0x9  }
0xb0: {  	_ =	task.clear_ibuf [dreg:s6], $0x4FFFF;
	_ =	strace $0x90000046  }
0xb1: {  	s29 =	simm.s32 $0x9;
	_ =	strace $0x80000048  }
0xb2: {  	_ =	swait.ge [sflag:s29], $0x1  }
0xb3: {  	[sflag:s29] =	ssyncadd.s32 $0xFFFFFFFF  }
0xb4: {  	_ =	strace $0x90000048  }
0xb5: {  	_ =	sfence  }
0xb6: {  	s30 =	sld [smem:$0x0];
	_ =	sdelay $0x2  }
0xb7: {  	s31 =	sshll.u32 s1, $0xD;
	s1 =	sshrl.u32 s1, $0x2  }
0xb8: {  	s3 =	sand.u32 $0x4000, s31;
	s1 =	sadd.s32 s1, s30  }
0xb9: {  	s0 =	sor.u32 s3, s0;
	s1 =	sshll.u32 s1, $0x11  }
0xba: {  	s0 =	sor.u32 s1, s0  }
0xbb: {  	s0 =	sadd.s32 $0x8F2B, s0  }
0xbc: {  	[sflag:s0] =	ssyncadd.remote.s32 $0x1  }
0xbd: {  	_ =	sfence.sel $0xFFFF  }
0xbe: {  	[dreg:$0x0] =	wrdreg $0xFFFFFFFF;
	(pc) =	sbr.abs _section_cstart, $3  }
0xbf: {  	[dreg:$0x1] =	wrdreg $0xFFFFFFFF  }
0xc0: {  	_ =	task.clear_ibuf [dreg:s6], $0x2FFFF;
	_ =	strace $0x9FFFFFFF  }
0xc1: {  	(tm) =	ssettm $0x7FFFFFFF  }
tec
execute0_lowered:
.L_overlay_start_1:
0x0: {  	(tag) =	ssettag $0x1  }
0x1: {  	s4 =	rddreg [dreg:$0x0]  }
0x2: {  	s0 =	rddreg [dreg:$0x1];
	s3 =	srdreg.scid  }
0x3: {  	s1 =	stileid.u32;
	s2 =	simm.s32 $0x0;
	s10 =	simm.s32 $0x1400  }
0x4: {  	s11 =	simm.s32 $0x100;
	s12 =	simm.s32 $0x2400;
	s13 =	simm.s32 $0x180  }
0x5: {  	s14 =	simm.s32 $0x3400;
	s15 =	simm.s32 $0x200;
	s16 =	simm.s32 $0x4400  }
0x6: {  	s17 =	simm.s32 $0x280;
	s18 =	simm.s32 $0x5400;
	s19 =	simm.s32 $0x300  }
0x7: {  	s20 =	simm.s32 $0x6400;
	s21 =	simm.s32 $0x380;
	s22 =	simm.s32 $0x7400  }
0x8: {  	s23 =	simm.s32 $0x1;
	s24 =	simm.s32 $0x0;
	s6 =	smul.u32 $0xC800, s1  }
0x9: {  	s5 =	sand.u32 $0x1, s3;
	[smem:$0x7FF] =	sst s2;
	s8 =	smul.u32 $0x32000, s1  }
0xa: {  	s3 =	sadd.s32 $0x19800, s4;
	s7 =	smul.u32 $0x6400, s5;
	s30 =	ssub.s32 $0x2, s5  }
0xb: {  	_ =	strace $0x80000047;
	s5 =	smul.u32 $0x19000, s5;
	s9 =	sshrl.u32 s30, $0x1  }
0xc: {  	s8 =	sadd.s32 s8, s4;
	s6 =	sadd.s32 s7, s6;
	s31 =	ssub.s32 s30, s9  }
0xd: {  	s5 =	sadd.s32 s5, s8;
	s7 =	simm.s32 $0x2;
	s6 =	sshrl.u32 s6, $0x3  }
0xe: {  	s8 =	simm.s32 $0x80;
	s9 =	simm.s32 $0x400;
	s6 =	sadd.s32 s6, s4  }
0xf: {  	s5 =	sadd.s32 $0x3F9800, s5;
	s4 =	smax.u32 s31, $0x1;
	s6 =	sadd.s32 $0x800, s6  }
.LBB2_1:
0x10: {  	s25 =	sadd.s32 $0x0, s6  }
0x11: {  	[tilespmem:s2], [sflag:$0x2] =	stream.linear.gather [hbm4b:s25+s2], $0x400, $0x38;
	[tilespmem:$0x8400] =	vst v63  }
0x12: {  	_ =	swait.ge [sflag:s7], $0x400  }
0x13: {  	[sflag:s7] =	ssyncset.done $0x0  }
0x14: {  	[sflag:s7] =	ssyncadd.s32 $0xFFFFFC00  }
0x15: {  	[tilespmem:s9], [sflag:$0x1] =	stream.indirect.gather [hbm4b:s3+s8], $0x20, s2, s8, $0xb8;
	[tilespmem:$0x8400] =	vst v63  }
0x16: {  	_ = 	snop  }
0x17: {  	[tilespmem:s10], [sflag:$0x1] =	stream.indirect.gather [hbm4b:s3+s8], $0x20, s8, s8, $0xb8;
	[tilespmem:$0x8400] =	vst v63  }
0x18: {  	_ = 	snop  }
0x19: {  	[tilespmem:s12], [sflag:$0x1] =	stream.indirect.gather [hbm4b:s3+s8], $0x20, s11, s8, $0xb8;
	[tilespmem:$0x8400] =	vst v63  }
0x1a: {  	_ = 	snop  }
0x1b: {  	[tilespmem:s14], [sflag:$0x1] =	stream.indirect.gather [hbm4b:s3+s8], $0x20, s13, s8, $0xb8;
	[tilespmem:$0x8400] =	vst v63  }
0x1c: {  	_ = 	snop  }
0x1d: {  	[tilespmem:s16], [sflag:$0x1] =	stream.indirect.gather [hbm4b:s3+s8], $0x20, s15, s8, $0xb8;
	[tilespmem:$0x8400] =	vst v63  }
0x1e: {  	_ = 	snop  }
0x1f: {  	[tilespmem:s18], [sflag:$0x1] =	stream.indirect.gather [hbm4b:s3+s8], $0x20, s17, s8, $0xb8;
	[tilespmem:$0x8400] =	vst v63  }
0x20: {  	_ = 	snop  }
0x21: {  	[tilespmem:s20], [sflag:$0x1] =	stream.indirect.gather [hbm4b:s3+s8], $0x20, s19, s8, $0xb8;
	[tilespmem:$0x8400] =	vst v63  }
0x22: {  	_ = 	snop  }
0x23: {  	[tilespmem:s22], [sflag:$0x1] =	stream.indirect.gather [hbm4b:s3+s8], $0x20, s21, s8, $0xb8;
	[tilespmem:$0x8400] =	vst v63  }
0x24: {  	_ =	swait.ge [sflag:s23], $0x1000  }
0x25: {  	[sflag:s23] =	ssyncset.done $0x0  }
0x26: {  	[sflag:s23] =	ssyncadd.s32 $0xFFFFF000  }
0x27: {  	_ =	swait.ge [sflag:s23], $0x1000  }
0x28: {  	[sflag:s23] =	ssyncset.done $0x0  }
0x29: {  	[sflag:s23] =	ssyncadd.s32 $0xFFFFF000  }
0x2a: {  	_ =	swait.ge [sflag:s23], $0x1000  }
0x2b: {  	[sflag:s23] =	ssyncset.done $0x0  }
0x2c: {  	[sflag:s23] =	ssyncadd.s32 $0xFFFFF000  }
0x2d: {  	_ =	swait.ge [sflag:s23], $0x1000  }
0x2e: {  	[sflag:s23] =	ssyncset.done $0x0  }
0x2f: {  	[sflag:s23] =	ssyncadd.s32 $0xFFFFF000  }
0x30: {  	_ =	swait.ge [sflag:s23], $0x1000  }
0x31: {  	[sflag:s23] =	ssyncset.done $0x0  }
0x32: {  	[sflag:s23] =	ssyncadd.s32 $0xFFFFF000  }
0x33: {  	_ =	swait.ge [sflag:s23], $0x1000  }
0x34: {  	[sflag:s23] =	ssyncset.done $0x0  }
0x35: {  	[sflag:s23] =	ssyncadd.s32 $0xFFFFF000  }
0x36: {  	_ =	swait.ge [sflag:s23], $0x1000  }
0x37: {  	[sflag:s23] =	ssyncset.done $0x0  }
0x38: {  	[sflag:s23] =	ssyncadd.s32 $0xFFFFF000  }
0x39: {  	_ =	swait.ge [sflag:s23], $0x1000  }
0x3a: {  	[sflag:s23] =	ssyncset.done $0x0  }
0x3b: {  	[sflag:s23] =	ssyncadd.s32 $0xFFFFF000  }
0x3c: {  	[hbm4b:s5+s2] =	stream.linear.scatter [tilespmem:s9], [sflag:$0x2], $0x8000, $0x38;
	[tilespmem:$0x8400] =	vst v63  }
0x3d: {  	s26 =	simm.s32 $0x80;
	_ =	swait.ge [sflag:s7], $0x8000  }
0x3e: {  	s29 =	simm.s32 $0x100;
	s25 =	sadd.s32 $0x1000, s5;
	[sflag:s7] =	ssyncset.done $0x0  }
.LBB2_2:
0x3f: {  	s30 =	sadd.s32 s26, s6  }
0x40: {  	[sflag:s7] =	ssyncadd.s32 $0xFFFF8000;
	s26 =	smov.u32 s29;
	s28 =	sadd.s32 $0x80, s29  }
0x41: {  	[tilespmem:s2], [sflag:$0x2] =	stream.linear.gather [hbm4b:s30+s2], $0x400, $0x38;
	[tilespmem:$0x8400] =	vst v63  }
0x42: {  	p0 =	sne.s32 s29, $0xC00;
	_ =	swait.ge [sflag:s7], $0x400  }
0x43: {  	[sflag:s7] =	ssyncset.done $0x0  }
0x44: {  	[sflag:s7] =	ssyncadd.s32 $0xFFFFFC00  }
0x45: {  	[tilespmem:s9], [sflag:$0x1] =	stream.indirect.gather [hbm4b:s3+s8], $0x20, s2, s8, $0xb8;
	[tilespmem:$0x8400] =	vst v63  }
0x46: {  	_ = 	snop  }
0x47: {  	[tilespmem:s10], [sflag:$0x1] =	stream.indirect.gather [hbm4b:s3+s8], $0x20, s8, s8, $0xb8;
	[tilespmem:$0x8400] =	vst v63  }
0x48: {  	_ = 	snop  }
0x49: {  	[tilespmem:s12], [sflag:$0x1] =	stream.indirect.gather [hbm4b:s3+s8], $0x20, s11, s8, $0xb8;
	[tilespmem:$0x8400] =	vst v63  }
0x4a: {  	_ = 	snop  }
0x4b: {  	[tilespmem:s14], [sflag:$0x1] =	stream.indirect.gather [hbm4b:s3+s8], $0x20, s13, s8, $0xb8;
	[tilespmem:$0x8400] =	vst v63  }
0x4c: {  	_ = 	snop  }
0x4d: {  	[tilespmem:s16], [sflag:$0x1] =	stream.indirect.gather [hbm4b:s3+s8], $0x20, s15, s8, $0xb8;
	[tilespmem:$0x8400] =	vst v63  }
0x4e: {  	_ = 	snop  }
0x4f: {  	[tilespmem:s18], [sflag:$0x1] =	stream.indirect.gather [hbm4b:s3+s8], $0x20, s17, s8, $0xb8;
	[tilespmem:$0x8400] =	vst v63  }
0x50: {  	_ = 	snop  }
0x51: {  	[tilespmem:s20], [sflag:$0x1] =	stream.indirect.gather [hbm4b:s3+s8], $0x20, s19, s8, $0xb8;
	[tilespmem:$0x8400] =	vst v63  }
0x52: {  	_ = 	snop  }
0x53: {  	[tilespmem:s22], [sflag:$0x1] =	stream.indirect.gather [hbm4b:s3+s8], $0x20, s21, s8, $0xb8;
	[tilespmem:$0x8400] =	vst v63  }
0x54: {  	_ =	swait.ge [sflag:s23], $0x1000  }
0x55: {  	[sflag:s23] =	ssyncset.done $0x0  }
0x56: {  	[sflag:s23] =	ssyncadd.s32 $0xFFFFF000  }
0x57: {  	_ =	swait.ge [sflag:s23], $0x1000  }
0x58: {  	[sflag:s23] =	ssyncset.done $0x0  }
0x59: {  	[sflag:s23] =	ssyncadd.s32 $0xFFFFF000  }
0x5a: {  	_ =	swait.ge [sflag:s23], $0x1000  }
0x5b: {  	[sflag:s23] =	ssyncset.done $0x0  }
0x5c: {  	[sflag:s23] =	ssyncadd.s32 $0xFFFFF000  }
0x5d: {  	_ =	swait.ge [sflag:s23], $0x1000  }
0x5e: {  	[sflag:s23] =	ssyncset.done $0x0  }
0x5f: {  	[sflag:s23] =	ssyncadd.s32 $0xFFFFF000  }
0x60: {  	_ =	swait.ge [sflag:s23], $0x1000  }
0x61: {  	[sflag:s23] =	ssyncset.done $0x0  }
0x62: {  	[sflag:s23] =	ssyncadd.s32 $0xFFFFF000  }
0x63: {  	_ =	swait.ge [sflag:s23], $0x1000  }
0x64: {  	[sflag:s23] =	ssyncset.done $0x0  }
0x65: {  	[sflag:s23] =	ssyncadd.s32 $0xFFFFF000  }
0x66: {  	_ =	swait.ge [sflag:s23], $0x1000  }
0x67: {  	[sflag:s23] =	ssyncset.done $0x0  }
0x68: {  	[sflag:s23] =	ssyncadd.s32 $0xFFFFF000  }
0x69: {  	_ =	swait.ge [sflag:s23], $0x1000  }
.Ltmp0:
0x6a: {  	[sflag:s23] =	ssyncset.done $0x0;
	(pc) =	sbr.rel @p0 .LBB2_2-.Ltmp0, $4  }
0x6b: {  	[sflag:s23] =	ssyncadd.s32 $0xFFFFF000  }
0x6c: {  	[hbm4b:s25+s2] =	stream.linear.scatter [tilespmem:s9], [sflag:$0x2], $0x8000, $0x38;
	[tilespmem:$0x8400] =	vst v63  }
0x6d: {  	_ =	swait.ge [sflag:s7], $0x8000  }
0x6e: {  	s29 =	smov.u32 s28;
	s25 =	sadd.s32 $0x1000, s25;
	[sflag:s7] =	ssyncset.done $0x0  }
0x6f: {  	s26 =	sadd.s32 s26, s6;
	[sflag:s7] =	ssyncadd.s32 $0xFFFF8000  }
0x70: {  	[tilespmem:s2], [sflag:$0x2] =	stream.linear.gather [hbm4b:s26+s2], $0x400, $0x38;
	[tilespmem:$0x8400] =	vst v63  }
0x71: {  	_ =	swait.ge [sflag:s7], $0x400  }
0x72: {  	[sflag:s7] =	ssyncset.done $0x0  }
0x73: {  	[sflag:s7] =	ssyncadd.s32 $0xFFFFFC00  }
0x74: {  	[tilespmem:s9], [sflag:$0x1] =	stream.indirect.gather [hbm4b:s3+s8], $0x20, s2, s8, $0xb8;
	[tilespmem:$0x8400] =	vst v63  }
0x75: {  	_ = 	snop  }
0x76: {  	[tilespmem:s10], [sflag:$0x1] =	stream.indirect.gather [hbm4b:s3+s8], $0x20, s8, s8, $0xb8;
	[tilespmem:$0x8400] =	vst v63  }
0x77: {  	_ = 	snop  }
0x78: {  	[tilespmem:s12], [sflag:$0x1] =	stream.indirect.gather [hbm4b:s3+s8], $0x20, s11, s8, $0xb8;
	[tilespmem:$0x8400] =	vst v63  }
0x79: {  	_ = 	snop  }
0x7a: {  	[tilespmem:s14], [sflag:$0x1] =	stream.indirect.gather [hbm4b:s3+s8], $0x20, s13, s8, $0xb8;
	[tilespmem:$0x8400] =	vst v63  }
0x7b: {  	_ = 	snop  }
0x7c: {  	[tilespmem:s16], [sflag:$0x1] =	stream.indirect.gather [hbm4b:s3+s8], $0x20, s15, s8, $0xb8;
	[tilespmem:$0x8400] =	vst v63  }
0x7d: {  	_ = 	snop  }
0x7e: {  	[tilespmem:s18], [sflag:$0x1] =	stream.indirect.gather [hbm4b:s3+s8], $0x20, s17, s8, $0xb8;
	[tilespmem:$0x8400] =	vst v63  }
0x7f: {  	_ = 	snop  }
0x80: {  	[tilespmem:s20], [sflag:$0x1] =	stream.indirect.gather [hbm4b:s3+s8], $0x20, s19, s8, $0xb8;
	[tilespmem:$0x8400] =	vst v63  }
0x81: {  	_ = 	snop  }
0x82: {  	[tilespmem:s22], [sflag:$0x1] =	stream.indirect.gather [hbm4b:s3+s8], $0x20, s21, s8, $0xb8;
	[tilespmem:$0x8400] =	vst v63  }
0x83: {  	_ =	swait.ge [sflag:s23], $0x1000  }
0x84: {  	[sflag:s23] =	ssyncset.done $0x0  }
0x85: {  	[sflag:s23] =	ssyncadd.s32 $0xFFFFF000  }
0x86: {  	_ =	swait.ge [sflag:s23], $0x1000  }
0x87: {  	[sflag:s23] =	ssyncset.done $0x0  }
0x88: {  	[sflag:s23] =	ssyncadd.s32 $0xFFFFF000  }
0x89: {  	_ =	swait.ge [sflag:s23], $0x1000  }
0x8a: {  	[sflag:s23] =	ssyncset.done $0x0  }
0x8b: {  	[sflag:s23] =	ssyncadd.s32 $0xFFFFF000  }
0x8c: {  	_ =	swait.ge [sflag:s23], $0x1000  }
0x8d: {  	[sflag:s23] =	ssyncset.done $0x0  }
0x8e: {  	[sflag:s23] =	ssyncadd.s32 $0xFFFFF000  }
0x8f: {  	_ =	swait.ge [sflag:s23], $0x1000  }
0x90: {  	[sflag:s23] =	ssyncset.done $0x0  }
0x91: {  	[sflag:s23] =	ssyncadd.s32 $0xFFFFF000  }
0x92: {  	_ =	swait.ge [sflag:s23], $0x1000  }
0x93: {  	[sflag:s23] =	ssyncset.done $0x0  }
0x94: {  	[sflag:s23] =	ssyncadd.s32 $0xFFFFF000  }
0x95: {  	_ =	swait.ge [sflag:s23], $0x1000  }
0x96: {  	[sflag:s23] =	ssyncset.done $0x0  }
0x97: {  	[sflag:s23] =	ssyncadd.s32 $0xFFFFF000  }
0x98: {  	s24 =	sadd.s32 $0x1, s24;
	_ =	swait.ge [sflag:s23], $0x1000  }
0x99: {  	p0 =	sne.s32 s24, s4;
	[sflag:s23] =	ssyncset.done $0x0  }
.Ltmp1:
0x9a: {  	[sflag:s23] =	ssyncadd.s32 $0xFFFFF000;
	(pc) =	sbr.rel @p0 .LBB2_1-.Ltmp1, $4  }
0x9b: {  	[hbm4b:s25+s2] =	stream.linear.scatter [tilespmem:s9], [sflag:$0x2], $0x8000, $0x38;
	[tilespmem:$0x8400] =	vst v63  }
0x9c: {  	_ =	swait.ge [sflag:s7], $0x8000  }
0x9d: {  	[sflag:s7] =	ssyncset.done $0x0  }
0x9e: {  	[sflag:s7] =	ssyncadd.s32 $0xFFFF8000  }
0x9f: {  	_ =	sfence.sel $0x180000  }
0xa0: {  	[bflag:$0x0] =	sbarrier.arrive $0xFFFF  }
0xa1: {  	p0 =	sne.s32 s1, $0x0;
	_ =	strace $0x90000047  }
0xa2: {  	s0 =	sadd.s32 @!p0 $0x100000, s0;
	[bflag:$0x2] =	sbarrier.arrive $0xFFFF  }
0xa3: {  	[sflag:s0] =	ssyncadd.tile.s32 @!p0 $0x1;
	_ =	shalt  }
.Lfunc_end2:
_tile_overlayer_lowered:
.L_overlay_start_2:
0xa4: {  	(tag) =	ssettag $0x2  }
0xa5: {  	s0 =	rddreg [dreg:$0x0];
	s2 =	stileid.u32  }
0xa6: {  	s1 =	rddreg [dreg:$0x1];
	p0 =	sne.s32 s2, $0x0  }
0xa7: {  	s3 =	rddreg [dreg:$0x2];
	[bflag:$0x3] =	sbarrier.arrive $0xFFFF;
	s2 =	simm.s32 @!p0 $0x1C02  }
0xa8: {  	[timem:s3], [sflag:s2] =	dma.local @!p0 [hbm:s0], s1  }
0xa9: {  	s0 =	simm.s32 @!p0 $0x2  }
0xaa: {  	_ =	swait.ge @!p0 [sflag:s0], s1  }
0xab: {  	s1 =	ssub.s32 @!p0 $0x0, s1;
	[sflag:s0] =	ssyncset.done @!p0 $0x0  }
0xac: {  	[sflag:s0] =	ssyncadd.s32 @!p0 s1  }
0xad: {  	[bflag:$0x3] =	sbarrier.arrive $0xFFFF  }
0xae: {  	_ =	shalt  }

</sc_bundles>
